<compile_context>
chip_gen: v7x
topology: tpu7x:2x2x1
jax: 0.10.2.dev20260603
libtpu: 0.0.44.dev20260713+nightly
codegen_flags: <defaults>
</compile_context>

<pallas_src>
import functools

import jax
import jax.numpy as jnp
from jax import lax
from jax.experimental import pallas as pl
from jax.experimental.pallas import tpu as pltpu
from jax.experimental.pallas import tpu_sc as plsc

NC = 2
NS = 16
NW = NC * NS
B_E = 128
CW = 32
NBUF = 4

F32 = jnp.float32


def _sc_mesh():
    return plsc.VectorSubcoreMesh(core_axis_name="c", subcore_axis_name="s")


_SC_PARAMS = pltpu.CompilerParams(use_tc_tiling_on_sc=False)



@functools.partial(jax.jit, static_argnames=("nb", "n_pad"))
def _deg_sc(dst3, nb, n_pad):
    rpt = n_pad // NS

    @functools.partial(
        pl.kernel,
        out_type=jax.ShapeDtypeStruct((NC, n_pad, 16), F32),
        mesh=_sc_mesh(),
        scratch_types=[
            pltpu.VMEM((nb, B_E), jnp.int32),
            pltpu.VMEM((B_E, 16), F32),
            pltpu.VMEM_SHARED((n_pad, 16), F32),
        ],
        compiler_params=_SC_PARAMS,
    )
    def k(dst_hbm, out_hbm, idx_v, ones_v, acc_sh):
        c = lax.axis_index("c")
        s = lax.axis_index("s")
        wid = c * NS + s

        def fill(i, val):
            ones_v[i, :] = jnp.full((16,), val, F32)
            return val

        lax.fori_loop(0, B_E, fill, 0.0)
        for kk in range(rpt // B_E):
            pltpu.sync_copy(ones_v, acc_sh.at[pl.ds(s * rpt + kk * B_E, B_E)])
        lax.fori_loop(0, B_E, fill, 1.0)
        pltpu.sync_copy(dst_hbm.at[wid], idx_v)
        plsc.subcore_barrier()

        def body(j, carry):
            pltpu.sync_copy(ones_v, acc_sh.at[idx_v.at[j]], add=True)
            return carry

        lax.fori_loop(0, nb, body, 0)
        plsc.subcore_barrier()
        pltpu.sync_copy(
            acc_sh.at[pl.ds(s * rpt, rpt)],
            out_hbm.at[c, pl.ds(s * rpt, rpt)],
        )

    return k(dst3)



@functools.partial(jax.jit, static_argnames=("nb", "n_pad", "n_chunks"))
def _spmm_sc(xs, src2, dst2, nb, n_pad, n_chunks):
    n = xs.shape[1]
    rpt = n_pad // NS
    rows_ps = n // NS
    rows_rem = n - rows_ps * NS
    nch2 = n_chunks // NC

    @functools.partial(
        pl.kernel,
        out_type=jax.ShapeDtypeStruct((n_chunks, n_pad, CW), F32),
        mesh=_sc_mesh(),
        scratch_types=[
            pltpu.VMEM((nb, B_E), jnp.int32),
            pltpu.VMEM((nb, B_E), jnp.int32),
            pltpu.VMEM((NBUF, B_E, CW), F32),
            pltpu.VMEM((B_E, CW), F32),
            pltpu.VMEM_SHARED((n, CW), F32),
            pltpu.VMEM_SHARED((n_pad, CW), F32),
        ] + [pltpu.SemaphoreType.DMA] * NBUF,
        compiler_params=_SC_PARAMS,
    )
    def k(xs_hbm, src_hbm, dst_hbm, out_hbm, src_v, dst_v, rows_v,
          zeros_v, xs_sh, acc_sh, *gsem):
        c = lax.axis_index("c")
        s = lax.axis_index("s")

        def zfill(i, carry):
            for kk in range(CW // 16):
                zeros_v[i, pl.ds(kk * 16, 16)] = jnp.zeros((16,), F32)
            return carry

        lax.fori_loop(0, B_E, zfill, 0)
        pltpu.sync_copy(src_hbm.at[s], src_v)
        pltpu.sync_copy(dst_hbm.at[s], dst_v)

        def gath(j, b):
            return pltpu.make_async_copy(
                xs_sh.at[src_v.at[j]], rows_v.at[b], gsem[b])

        for cl in range(nch2):
            ci = c * nch2 + cl
            for kk in range(rpt // B_E):
                base = s * rpt + kk * B_E
                pltpu.sync_copy(zeros_v, acc_sh.at[pl.ds(base, B_E)])
            pltpu.sync_copy(
                xs_hbm.at[ci].at[pl.ds(s * rows_ps, rows_ps)],
                xs_sh.at[pl.ds(s * rows_ps, rows_ps)],
            )
            if rows_rem:
                @pl.when(s == NS - 1)
                def _():
                    pltpu.sync_copy(
                        xs_hbm.at[ci].at[pl.ds(NS * rows_ps, rows_rem)],
                        xs_sh.at[pl.ds(NS * rows_ps, rows_rem)],
                    )
            plsc.subcore_barrier()
            for b in range(NBUF):
                gath(b, b).start()

            def body(jj, carry):
                for b in range(NBUF):
                    j = jj * NBUF + b
                    gath(j, b).wait()
                    pltpu.sync_copy(rows_v.at[b], acc_sh.at[dst_v.at[j]],
                                    add=True)

                    @pl.when(jj + 1 < nb // NBUF)
                    def _():
                        gath(j + NBUF, b).start()
                return carry

            lax.fori_loop(0, nb // NBUF, body, 0)
            plsc.subcore_barrier()
            pltpu.sync_copy(
                acc_sh.at[pl.ds(s * rpt, rpt)],
                out_hbm.at[ci].at[pl.ds(s * rpt, rpt)],
            )

    return k(xs, src2, dst2)



def _dinv_from(degp_blk):
    deg = degp_blk[0, :, 0] + degp_blk[1, :, 0]
    return jnp.where(deg > 0.0, lax.rsqrt(deg), 0.0)


def _prep_tc(x, degp):
    n, f = x.shape
    bn = 1000
    c_out = f // CW

    def body(x_ref, degp_ref, xs_ref):
        dinv = _dinv_from(degp_ref)
        xs = x_ref[...] * dinv[:, None]
        for co in range(c_out):
            xs_ref[co] = xs[:, co * CW:(co + 1) * CW]

    return pl.pallas_call(
        body,
        grid=(n // bn,),
        in_specs=[
            pl.BlockSpec((bn, f), lambda i: (i, 0)),
            pl.BlockSpec((2, bn, 16), lambda i: (0, i, 0)),
        ],
        out_specs=pl.BlockSpec((c_out, bn, CW), lambda i: (0, i, 0)),
        out_shape=jax.ShapeDtypeStruct((c_out, n, CW), F32),
    )(x, degp)



def _mm0_tc(h, w0, b):
    n, f_in = h.shape
    f_out = w0.shape[1]
    bn = 1000
    b2 = b.reshape(1, f_out)

    def body(h_ref, w0_ref, b_ref, o_ref):
        o_ref[...] = jnp.dot(h_ref[...], w0_ref[...],
                             preferred_element_type=F32) + b_ref[...]

    return pl.pallas_call(
        body,
        grid=(n // bn,),
        in_specs=[
            pl.BlockSpec((bn, f_in), lambda i: (i, 0)),
            pl.BlockSpec((f_in, f_out), lambda i: (0, 0)),
            pl.BlockSpec((1, f_out), lambda i: (0, 0)),
        ],
        out_specs=pl.BlockSpec((bn, f_out), lambda i: (i, 0)),
        out_shape=jax.ShapeDtypeStruct((n, f_out), F32),
    )(h, w0, b2)


def _combine_tc(p0, tp, degp, w1, last):
    n, f_out = p0.shape
    f_in = w1.shape[0]
    c_in = f_in // CW
    bn = 1000

    def body(p0_ref, tp_ref, degp_ref, w1_ref, *out_refs):
        dinv = _dinv_from(degp_ref)
        mdinv = -dinv
        t = jnp.concatenate(
            [tp_ref[ci] * mdinv[:, None] for ci in range(c_in)], axis=1)
        acc = p0_ref[...] + jnp.dot(t, w1_ref[...],
                                    preferred_element_type=F32)
        hn = jnp.maximum(acc, 0.0)
        out_refs[0][...] = hn
        if not last:
            dcol = dinv[:, None]
            for co in range(f_out // CW):
                out_refs[1][co] = hn[:, co * CW:(co + 1) * CW] * dcol

    out_shape = [jax.ShapeDtypeStruct((n, f_out), F32)]
    out_specs = [pl.BlockSpec((bn, f_out), lambda i: (i, 0))]
    if not last:
        out_shape.append(jax.ShapeDtypeStruct((f_out // CW, n, CW), F32))
        out_specs.append(
            pl.BlockSpec((f_out // CW, bn, CW), lambda i: (0, i, 0)))

    return pl.pallas_call(
        body,
        grid=(n // bn,),
        in_specs=[
            pl.BlockSpec((bn, f_out), lambda i: (i, 0)),
            pl.BlockSpec((c_in, bn, CW), lambda i: (0, i, 0)),
            pl.BlockSpec((2, bn, 16), lambda i: (0, i, 0)),
            pl.BlockSpec((f_in, f_out), lambda i: (0, 0)),
        ],
        out_specs=out_specs,
        out_shape=out_shape,
    )(p0, tp, degp, w1)



def kernel(x, edge_index, W0_1, W1_1, b_1, W0_2, W1_2, b_2, W0_3, W1_3, b_3):
    n = x.shape[0]
    e = edge_index.shape[1]

    e_pad = -(-e // (NS * B_E * NBUF)) * (NS * B_E * NBUF)
    nb = e_pad // (NS * B_E)
    nb_deg = e_pad // (NW * B_E)
    pad = e_pad - e
    n_pad = -(-n // (NS * B_E)) * (NS * B_E)

    src = jnp.concatenate([edge_index[0], jnp.zeros((pad,), jnp.int32)])
    dst = jnp.concatenate([edge_index[1], jnp.full((pad,), n, jnp.int32)])
    src2 = src.reshape(NS, nb, B_E)
    dst2 = dst.reshape(NS, nb, B_E)

    degp = _deg_sc(dst.reshape(NW, nb_deg, B_E), nb=nb_deg, n_pad=n_pad)

    xs = _prep_tc(x, degp)
    h = x
    params = [(W0_1, W1_1, b_1), (W0_2, W1_2, b_2), (W0_3, W1_3, b_3)]
    for li, (w0, w1, b) in enumerate(params):
        tp = _spmm_sc(xs, src2, dst2, nb=nb, n_pad=n_pad,
                      n_chunks=h.shape[1] // CW)
        p0 = _mm0_tc(h, w0, b)
        last = li == 2
        outs = _combine_tc(p0, tp, degp, w1, last)
        if last:
            h = outs[0]
        else:
            h, xs = outs
    return h

# --- scband reference (transcript-rebuilt; emitter-appended) ---
"""Pipeline reference for scband-context-encoder-59055800320806 (READ-ONLY COPY).

The authoritative reference and input builder live on the scoring server;
editing this copy changes nothing except your own understanding.
"""

import jax, jax.numpy as jnp
import numpy as np

N = 10000
E = 320000
F_IN = 128


def _glorot(key, fan_in, fan_out):
    scale = jnp.sqrt(2.0 / (fan_in + fan_out))
    return jax.random.normal(key, (fan_in, fan_out), dtype=jnp.float32) * scale


def setup_inputs(seed: int = 0) -> dict:
    key = jax.random.key(seed)
    ks = jax.random.split(key, 8)
    x = jax.random.normal(ks[0], (N, F_IN), dtype=jnp.float32)
    rng = np.random.default_rng(0)
    edge_index = jnp.asarray(rng.integers(0, N, size=(2, E)), dtype=jnp.int32)
    # ChebConv (K=2) params per layer: W0 (T_0 term), W1 (T_1 term), bias
    dims = [(F_IN, F_IN * 2), (F_IN * 2, F_IN * 4), (F_IN * 4, F_IN * 4)]
    params = {}
    kidx = 1
    for li, (fi, fo) in enumerate(dims, start=1):
        params[f"W0_{li}"] = _glorot(ks[kidx], fi, fo); kidx += 1
        params[f"W1_{li}"] = _glorot(ks[kidx], fi, fo); kidx += 1
        params[f"b_{li}"] = jnp.zeros((fo,), dtype=jnp.float32)
    return {"x": x, "edge_index": edge_index, **params}


def _cheb_conv(x, edge_index, W0, W1, b):
    # PyG ChebConv, K=2, normalization='sym', lambda_max=2.0:
    # L_hat = L_sym - I = -D^{-1/2} A D^{-1/2}
    src = edge_index[0]
    dst = edge_index[1]
    n = x.shape[0]
    deg = jnp.zeros((n,), dtype=x.dtype).at[dst].add(1.0)
    dinv = jnp.where(deg > 0, 1.0 / jnp.sqrt(deg), 0.0)
    w = -(dinv[src] * dinv[dst])  # edge weights of L_hat
    msg = x[src] * w[:, None]
    tx1 = jnp.zeros_like(x).at[dst].add(msg)  # T_1(L_hat) x
    out = x @ W0 + tx1 @ W1 + b
    return out


def reference(x, edge_index, W0_1, W1_1, b_1, W0_2, W1_2, b_2, W0_3, W1_3, b_3):
    h = jax.nn.relu(_cheb_conv(x, edge_index, W0_1, W1_1, b_1))
    h = jax.nn.relu(_cheb_conv(h, edge_index, W0_2, W1_2, b_2))
    h = jax.nn.relu(_cheb_conv(h, edge_index, W0_3, W1_3, b_3))
    return h

if __name__ == "__main__":
    import jax
    _d = setup_inputs()
    print(jax.jit(kernel)(*tuple(_d.values())))

</pallas_src>

<mosaic_0001>
#map = affine_map<(d0, d1) -> (0, 0, 0)>
module attributes {stable_mosaic.version = 14 : i64} {
  func.func @k(%arg0: i32, %arg1: i32, %arg2: memref<32x80x128xi32, #tpu.memory_space<hbm>>, %arg3: memref<2x10240x16xf32, #tpu.memory_space<hbm>>, %arg4: memref<80x128xi32, #tpu.memory_space<vmem>>, %arg5: memref<128x16xf32, #tpu.memory_space<vmem>>, %arg6: memref<10240x16xf32, #tpu.memory_space<vmem_shared>>) attributes {dimension_semantics = [#tpu.dimension_semantics<core_parallel>, #tpu.dimension_semantics<subcore_parallel>], iteration_bounds = array<i64: 2, 16>, scalar_prefetch = 0 : i64, scratch_operands = 3 : i64, tpu.core_type = #tpu.core_type<sc_vector_subcore>, window_params = [{transform_indices = #map}, {transform_indices = #map}]} {
    %mul3A = arith.constant 16 : i32
    %mul3A_0 = arith.muli %arg0, %mul3A : i32
    %add3A = arith.addi %mul3A_0, %arg1 : i32
    %scan3A = arith.constant 0.000000e+00 : f32
    %scan3A_1 = arith.constant 0 : i32
    %scan3A_2 = arith.constant 128 : i32
    %scan3A_3 = arith.addi %scan3A_1, %scan3A_2 : i32
    %scan3A_4 = arith.constant 1 : i32
    scf.for %scan3A_43 = %scan3A_1 to %scan3A_3 step %scan3A_4  : i32 {
      %broadcast_in_dim3A = vector.broadcast %scan3A : f32 to vector<16xf32>
      %swap3A = arith.index_cast %scan3A_43 : i32 to index
      %swap3A_44 = arith.constant 0 : index
      %swap3A_45 = tpu.vector_load %arg5[%swap3A, %swap3A_44] {strides = array<i32>} : memref<128x16xf32, #tpu.memory_space<vmem>>, vector<1x16xf32>,
      %swap3A_46 = vector.shape_cast %swap3A_45 : vector<1x16xf32> to vector<16xf32>
      %swap3A_47 = vector.shape_cast %broadcast_in_dim3A : vector<16xf32> to vector<1x16xf32>
      tpu.vector_store %arg5[%swap3A, %swap3A_44], %swap3A_47 {strides = array<i32>} : memref<128x16xf32, #tpu.memory_space<vmem>>, vector<1x16xf32>,
    }
    %scan3A_5 = arith.constant 128 : i32
    %mul3A_6 = arith.constant 640 : i32
    %mul3A_7 = arith.muli %arg1, %mul3A_6 : i32
    %add3A_8 = arith.constant 0 : i32
    %add3A_9 = arith.addi %mul3A_7, %add3A_8 : i32
    "tpu.region"() ({
      %run_scoped3A = tpu.sem_alloc : memref<!tpu.dma_semaphore, #tpu.memory_space<semaphore_mem>>
      %dma_start3A = arith.constant 0 : i32
      %dma_start3A_43 = tpu.memref_slice %arg6[%add3A_9, %dma_start3A] : memref<10240x16xf32, #tpu.memory_space<vmem_shared>> -> memref<128x16xf32, #tpu.memory_space<vmem_shared>>
      %dma_start3A_44 = arith.constant 0 : i32
      %dma_start3A_45 = tpu.memref_slice %arg6[%add3A_9, %dma_start3A_44] : memref<10240x16xf32, #tpu.memory_space<vmem_shared>> -> memref<128x16xf32, #tpu.memory_space<vmem_shared>>
      tpu.enqueue_dma source(%arg5 : memref<128x16xf32, #tpu.memory_space<vmem>>) target(%dma_start3A_45 : memref<128x16xf32, #tpu.memory_space<vmem_shared>>) target_semaphore(%run_scoped3A : memref<!tpu.dma_semaphore, #tpu.memory_space<semaphore_mem>>)
      %dma_wait3A = arith.constant 0 : i32
      %dma_wait3A_46 = tpu.memref_slice %arg6[%add3A_9, %dma_wait3A] : memref<10240x16xf32, #tpu.memory_space<vmem_shared>> -> memref<128x16xf32, #tpu.memory_space<vmem_shared>>
      %dma_wait3A_47 = arith.constant 0 : i32
      %dma_wait3A_48 = tpu.memref_slice %arg6[%add3A_9, %dma_wait3A_47] : memref<10240x16xf32, #tpu.memory_space<vmem_shared>> -> memref<128x16xf32, #tpu.memory_space<vmem_shared>>
      tpu.wait_dma2 semaphore(%run_scoped3A : memref<!tpu.dma_semaphore, #tpu.memory_space<semaphore_mem>>) src(%arg5 : memref<128x16xf32, #tpu.memory_space<vmem>>) dst(%dma_wait3A_48 : memref<128x16xf32, #tpu.memory_space<vmem_shared>>)
      tpu.yield
    }) : () -> ()
    %mul3A_10 = arith.constant 640 : i32
    %mul3A_11 = arith.muli %arg1, %mul3A_10 : i32
    %add3A_12 = arith.constant 128 : i32
    %add3A_13 = arith.addi %mul3A_11, %add3A_12 : i32
    "tpu.region"() ({
      %run_scoped3A = tpu.sem_alloc : memref<!tpu.dma_semaphore, #tpu.memory_space<semaphore_mem>>
      %dma_start3A = arith.constant 0 : i32
      %dma_start3A_43 = tpu.memref_slice %arg6[%add3A_13, %dma_start3A] : memref<10240x16xf32, #tpu.memory_space<vmem_shared>> -> memref<128x16xf32, #tpu.memory_space<vmem_shared>>
      %dma_start3A_44 = arith.constant 0 : i32
      %dma_start3A_45 = tpu.memref_slice %arg6[%add3A_13, %dma_start3A_44] : memref<10240x16xf32, #tpu.memory_space<vmem_shared>> -> memref<128x16xf32, #tpu.memory_space<vmem_shared>>
      tpu.enqueue_dma source(%arg5 : memref<128x16xf32, #tpu.memory_space<vmem>>) target(%dma_start3A_45 : memref<128x16xf32, #tpu.memory_space<vmem_shared>>) target_semaphore(%run_scoped3A : memref<!tpu.dma_semaphore, #tpu.memory_space<semaphore_mem>>)
      %dma_wait3A = arith.constant 0 : i32
      %dma_wait3A_46 = tpu.memref_slice %arg6[%add3A_13, %dma_wait3A] : memref<10240x16xf32, #tpu.memory_space<vmem_shared>> -> memref<128x16xf32, #tpu.memory_space<vmem_shared>>
      %dma_wait3A_47 = arith.constant 0 : i32
      %dma_wait3A_48 = tpu.memref_slice %arg6[%add3A_13, %dma_wait3A_47] : memref<10240x16xf32, #tpu.memory_space<vmem_shared>> -> memref<128x16xf32, #tpu.memory_space<vmem_shared>>
      tpu.wait_dma2 semaphore(%run_scoped3A : memref<!tpu.dma_semaphore, #tpu.memory_space<semaphore_mem>>) src(%arg5 : memref<128x16xf32, #tpu.memory_space<vmem>>) dst(%dma_wait3A_48 : memref<128x16xf32, #tpu.memory_space<vmem_shared>>)
      tpu.yield
    }) : () -> ()
    %mul3A_14 = arith.constant 640 : i32
    %mul3A_15 = arith.muli %arg1, %mul3A_14 : i32
    %add3A_16 = arith.constant 256 : i32
    %add3A_17 = arith.addi %mul3A_15, %add3A_16 : i32
    "tpu.region"() ({
      %run_scoped3A = tpu.sem_alloc : memref<!tpu.dma_semaphore, #tpu.memory_space<semaphore_mem>>
      %dma_start3A = arith.constant 0 : i32
      %dma_start3A_43 = tpu.memref_slice %arg6[%add3A_17, %dma_start3A] : memref<10240x16xf32, #tpu.memory_space<vmem_shared>> -> memref<128x16xf32, #tpu.memory_space<vmem_shared>>
      %dma_start3A_44 = arith.constant 0 : i32
      %dma_start3A_45 = tpu.memref_slice %arg6[%add3A_17, %dma_start3A_44] : memref<10240x16xf32, #tpu.memory_space<vmem_shared>> -> memref<128x16xf32, #tpu.memory_space<vmem_shared>>
      tpu.enqueue_dma source(%arg5 : memref<128x16xf32, #tpu.memory_space<vmem>>) target(%dma_start3A_45 : memref<128x16xf32, #tpu.memory_space<vmem_shared>>) target_semaphore(%run_scoped3A : memref<!tpu.dma_semaphore, #tpu.memory_space<semaphore_mem>>)
      %dma_wait3A = arith.constant 0 : i32
      %dma_wait3A_46 = tpu.memref_slice %arg6[%add3A_17, %dma_wait3A] : memref<10240x16xf32, #tpu.memory_space<vmem_shared>> -> memref<128x16xf32, #tpu.memory_space<vmem_shared>>
      %dma_wait3A_47 = arith.constant 0 : i32
      %dma_wait3A_48 = tpu.memref_slice %arg6[%add3A_17, %dma_wait3A_47] : memref<10240x16xf32, #tpu.memory_space<vmem_shared>> -> memref<128x16xf32, #tpu.memory_space<vmem_shared>>
      tpu.wait_dma2 semaphore(%run_scoped3A : memref<!tpu.dma_semaphore, #tpu.memory_space<semaphore_mem>>) src(%arg5 : memref<128x16xf32, #tpu.memory_space<vmem>>) dst(%dma_wait3A_48 : memref<128x16xf32, #tpu.memory_space<vmem_shared>>)
      tpu.yield
    }) : () -> ()
    %mul3A_18 = arith.constant 640 : i32
    %mul3A_19 = arith.muli %arg1, %mul3A_18 : i32
    %add3A_20 = arith.constant 384 : i32
    %add3A_21 = arith.addi %mul3A_19, %add3A_20 : i32
    "tpu.region"() ({
      %run_scoped3A = tpu.sem_alloc : memref<!tpu.dma_semaphore, #tpu.memory_space<semaphore_mem>>
      %dma_start3A = arith.constant 0 : i32
      %dma_start3A_43 = tpu.memref_slice %arg6[%add3A_21, %dma_start3A] : memref<10240x16xf32, #tpu.memory_space<vmem_shared>> -> memref<128x16xf32, #tpu.memory_space<vmem_shared>>
      %dma_start3A_44 = arith.constant 0 : i32
      %dma_start3A_45 = tpu.memref_slice %arg6[%add3A_21, %dma_start3A_44] : memref<10240x16xf32, #tpu.memory_space<vmem_shared>> -> memref<128x16xf32, #tpu.memory_space<vmem_shared>>
      tpu.enqueue_dma source(%arg5 : memref<128x16xf32, #tpu.memory_space<vmem>>) target(%dma_start3A_45 : memref<128x16xf32, #tpu.memory_space<vmem_shared>>) target_semaphore(%run_scoped3A : memref<!tpu.dma_semaphore, #tpu.memory_space<semaphore_mem>>)
      %dma_wait3A = arith.constant 0 : i32
      %dma_wait3A_46 = tpu.memref_slice %arg6[%add3A_21, %dma_wait3A] : memref<10240x16xf32, #tpu.memory_space<vmem_shared>> -> memref<128x16xf32, #tpu.memory_space<vmem_shared>>
      %dma_wait3A_47 = arith.constant 0 : i32
      %dma_wait3A_48 = tpu.memref_slice %arg6[%add3A_21, %dma_wait3A_47] : memref<10240x16xf32, #tpu.memory_space<vmem_shared>> -> memref<128x16xf32, #tpu.memory_space<vmem_shared>>
      tpu.wait_dma2 semaphore(%run_scoped3A : memref<!tpu.dma_semaphore, #tpu.memory_space<semaphore_mem>>) src(%arg5 : memref<128x16xf32, #tpu.memory_space<vmem>>) dst(%dma_wait3A_48 : memref<128x16xf32, #tpu.memory_space<vmem_shared>>)
      tpu.yield
    }) : () -> ()
    %mul3A_22 = arith.constant 640 : i32
    %mul3A_23 = arith.muli %arg1, %mul3A_22 : i32
    %add3A_24 = arith.constant 512 : i32
    %add3A_25 = arith.addi %mul3A_23, %add3A_24 : i32
    "tpu.region"() ({
      %run_scoped3A = tpu.sem_alloc : memref<!tpu.dma_semaphore, #tpu.memory_space<semaphore_mem>>
      %dma_start3A = arith.constant 0 : i32
      %dma_start3A_43 = tpu.memref_slice %arg6[%add3A_25, %dma_start3A] : memref<10240x16xf32, #tpu.memory_space<vmem_shared>> -> memref<128x16xf32, #tpu.memory_space<vmem_shared>>
      %dma_start3A_44 = arith.constant 0 : i32
      %dma_start3A_45 = tpu.memref_slice %arg6[%add3A_25, %dma_start3A_44] : memref<10240x16xf32, #tpu.memory_space<vmem_shared>> -> memref<128x16xf32, #tpu.memory_space<vmem_shared>>
      tpu.enqueue_dma source(%arg5 : memref<128x16xf32, #tpu.memory_space<vmem>>) target(%dma_start3A_45 : memref<128x16xf32, #tpu.memory_space<vmem_shared>>) target_semaphore(%run_scoped3A : memref<!tpu.dma_semaphore, #tpu.memory_space<semaphore_mem>>)
      %dma_wait3A = arith.constant 0 : i32
      %dma_wait3A_46 = tpu.memref_slice %arg6[%add3A_25, %dma_wait3A] : memref<10240x16xf32, #tpu.memory_space<vmem_shared>> -> memref<128x16xf32, #tpu.memory_space<vmem_shared>>
      %dma_wait3A_47 = arith.constant 0 : i32
      %dma_wait3A_48 = tpu.memref_slice %arg6[%add3A_25, %dma_wait3A_47] : memref<10240x16xf32, #tpu.memory_space<vmem_shared>> -> memref<128x16xf32, #tpu.memory_space<vmem_shared>>
      tpu.wait_dma2 semaphore(%run_scoped3A : memref<!tpu.dma_semaphore, #tpu.memory_space<semaphore_mem>>) src(%arg5 : memref<128x16xf32, #tpu.memory_space<vmem>>) dst(%dma_wait3A_48 : memref<128x16xf32, #tpu.memory_space<vmem_shared>>)
      tpu.yield
    }) : () -> ()
    %scan3A_26 = arith.constant 1.000000e+00 : f32
    %scan3A_27 = arith.constant 0 : i32
    %scan3A_28 = arith.constant 128 : i32
    %scan3A_29 = arith.addi %scan3A_27, %scan3A_28 : i32
    %scan3A_30 = arith.constant 1 : i32
    scf.for %scan3A_43 = %scan3A_27 to %scan3A_29 step %scan3A_30  : i32 {
      %broadcast_in_dim3A = vector.broadcast %scan3A_26 : f32 to vector<16xf32>
      %swap3A = arith.index_cast %scan3A_43 : i32 to index
      %swap3A_44 = arith.constant 0 : index
      %swap3A_45 = tpu.vector_load %arg5[%swap3A, %swap3A_44] {strides = array<i32>} : memref<128x16xf32, #tpu.memory_space<vmem>>, vector<1x16xf32>,
      %swap3A_46 = vector.shape_cast %swap3A_45 : vector<1x16xf32> to vector<16xf32>
      %swap3A_47 = vector.shape_cast %broadcast_in_dim3A : vector<16xf32> to vector<1x16xf32>
      tpu.vector_store %arg5[%swap3A, %swap3A_44], %swap3A_47 {strides = array<i32>} : memref<128x16xf32, #tpu.memory_space<vmem>>, vector<1x16xf32>,
    }
    %scan3A_31 = arith.constant 128 : i32
    "tpu.region"() ({
      %run_scoped3A = tpu.sem_alloc : memref<!tpu.dma_semaphore, #tpu.memory_space<semaphore_mem>>
      %dma_start3A = arith.constant 0 : i32
      %dma_start3A_43 = arith.constant 0 : i32
      %dma_start3A_44 = tpu.memref_slice %arg2[%add3A, %dma_start3A, %dma_start3A_43] : memref<32x80x128xi32, #tpu.memory_space<hbm>> -> memref<1x80x128xi32, #tpu.memory_space<hbm>>
      %dma_start3A_45 = tpu.memref_squeeze %dma_start3A_44 : memref<1x80x128xi32, #tpu.memory_space<hbm>> -> memref<80x128xi32, #tpu.memory_space<hbm>>
      %dma_start3A_46 = arith.constant 0 : i32
      %dma_start3A_47 = arith.constant 0 : i32
      %dma_start3A_48 = tpu.memref_slice %arg2[%add3A, %dma_start3A_46, %dma_start3A_47] : memref<32x80x128xi32, #tpu.memory_space<hbm>> -> memref<1x80x128xi32, #tpu.memory_space<hbm>>
      %dma_start3A_49 = tpu.memref_squeeze %dma_start3A_48 : memref<1x80x128xi32, #tpu.memory_space<hbm>> -> memref<80x128xi32, #tpu.memory_space<hbm>>
      tpu.enqueue_dma source(%dma_start3A_49 : memref<80x128xi32, #tpu.memory_space<hbm>>) target(%arg4 : memref<80x128xi32, #tpu.memory_space<vmem>>) target_semaphore(%run_scoped3A : memref<!tpu.dma_semaphore, #tpu.memory_space<semaphore_mem>>)
      %dma_wait3A = arith.constant 0 : i32
      %dma_wait3A_50 = arith.constant 0 : i32
      %dma_wait3A_51 = tpu.memref_slice %arg2[%add3A, %dma_wait3A, %dma_wait3A_50] : memref<32x80x128xi32, #tpu.memory_space<hbm>> -> memref<1x80x128xi32, #tpu.memory_space<hbm>>
      %dma_wait3A_52 = tpu.memref_squeeze %dma_wait3A_51 : memref<1x80x128xi32, #tpu.memory_space<hbm>> -> memref<80x128xi32, #tpu.memory_space<hbm>>
      %dma_wait3A_53 = arith.constant 0 : i32
      %dma_wait3A_54 = arith.constant 0 : i32
      %dma_wait3A_55 = tpu.memref_slice %arg2[%add3A, %dma_wait3A_53, %dma_wait3A_54] : memref<32x80x128xi32, #tpu.memory_space<hbm>> -> memref<1x80x128xi32, #tpu.memory_space<hbm>>
      %dma_wait3A_56 = tpu.memref_squeeze %dma_wait3A_55 : memref<1x80x128xi32, #tpu.memory_space<hbm>> -> memref<80x128xi32, #tpu.memory_space<hbm>>
      tpu.wait_dma2 semaphore(%run_scoped3A : memref<!tpu.dma_semaphore, #tpu.memory_space<semaphore_mem>>) src(%dma_wait3A_56 : memref<80x128xi32, #tpu.memory_space<hbm>>) dst(%arg4 : memref<80x128xi32, #tpu.memory_space<vmem>>)
      tpu.yield
    }) : () -> ()
    %barrier3A = arith.constant 0 : index
    tpu.barrier barrier_id(%barrier3A)
    %scan3A_32 = arith.constant 0 : i32
    %scan3A_33 = arith.constant 0 : i32
    %scan3A_34 = arith.constant 80 : i32
    %scan3A_35 = arith.addi %scan3A_33, %scan3A_34 : i32
    %scan3A_36 = arith.constant 1 : i32
    scf.for %scan3A_43 = %scan3A_33 to %scan3A_35 step %scan3A_36  : i32 {
      "tpu.region"() ({
        %run_scoped3A = tpu.sem_alloc : memref<!tpu.dma_semaphore, #tpu.memory_space<semaphore_mem>>
        %dma_start3A = arith.constant 0 : i32
        %dma_start3A_44 = tpu.memref_slice %arg4[%scan3A_43, %dma_start3A] : memref<80x128xi32, #tpu.memory_space<vmem>> -> memref<1x128xi32, #tpu.memory_space<vmem>>
        %dma_start3A_45 = tpu.memref_squeeze %dma_start3A_44 : memref<1x128xi32, #tpu.memory_space<vmem>> -> memref<128xi32, #tpu.memory_space<vmem>>
        %dma_start3A_46 = arith.constant 0 : i32
        %dma_start3A_47 = arith.constant 0 : i32
        %dma_start3A_48 = tpu.memref_slice %arg6[%dma_start3A_46, %dma_start3A_47] : memref<10240x16xf32, #tpu.memory_space<vmem_shared>> -> memref<10240x16xf32, #tpu.memory_space<vmem_shared>>
        tpu.enqueue_indirect_dma source(%arg5 : memref<128x16xf32, #tpu.memory_space<vmem>>) target(%dma_start3A_48 : memref<10240x16xf32, #tpu.memory_space<vmem_shared>>) offsets(%dma_start3A_45 : memref<128xi32, #tpu.memory_space<vmem>>) semaphore(%run_scoped3A : memref<!tpu.dma_semaphore, #tpu.memory_space<semaphore_mem>>) {add = true}
        %dma_wait3A = arith.constant 0 : i32
        %dma_wait3A_49 = tpu.memref_slice %arg4[%scan3A_43, %dma_wait3A] : memref<80x128xi32, #tpu.memory_space<vmem>> -> memref<1x128xi32, #tpu.memory_space<vmem>>
        %dma_wait3A_50 = tpu.memref_squeeze %dma_wait3A_49 : memref<1x128xi32, #tpu.memory_space<vmem>> -> memref<128xi32, #tpu.memory_space<vmem>>
        %dma_wait3A_51 = arith.constant 0 : i32
        %dma_wait3A_52 = arith.constant 0 : i32
        %dma_wait3A_53 = tpu.memref_slice %arg6[%dma_wait3A_51, %dma_wait3A_52] : memref<10240x16xf32, #tpu.memory_space<vmem_shared>> -> memref<10240x16xf32, #tpu.memory_space<vmem_shared>>
        tpu.wait_indirect_dma semaphore(%run_scoped3A : memref<!tpu.dma_semaphore, #tpu.memory_space<semaphore_mem>>) src(%arg5 : memref<128x16xf32, #tpu.memory_space<vmem>>) dst(%dma_wait3A_53 : memref<10240x16xf32, #tpu.memory_space<vmem_shared>>)
        tpu.yield
      }) : () -> ()
    }
    %scan3A_37 = arith.constant 80 : i32
    %barrier3A_38 = arith.constant 0 : index
    tpu.barrier barrier_id(%barrier3A_38)
    %mul3A_39 = arith.constant 640 : i32
    %mul3A_40 = arith.muli %arg1, %mul3A_39 : i32
    %mul3A_41 = arith.constant 640 : i32
    %mul3A_42 = arith.muli %arg1, %mul3A_41 : i32
    "tpu.region"() ({
      %run_scoped3A = tpu.sem_alloc : memref<!tpu.dma_semaphore, #tpu.memory_space<semaphore_mem>>
      %dma_start3A = arith.constant 0 : i32
      %dma_start3A_43 = tpu.memref_slice %arg3[%arg0, %mul3A_42, %dma_start3A] : memref<2x10240x16xf32, #tpu.memory_space<hbm>> -> memref<1x640x16xf32, #tpu.memory_space<hbm>>
      %dma_start3A_44 = tpu.memref_squeeze %dma_start3A_43 : memref<1x640x16xf32, #tpu.memory_space<hbm>> -> memref<640x16xf32, #tpu.memory_space<hbm>>
      %dma_start3A_45 = arith.constant 0 : i32
      %dma_start3A_46 = tpu.memref_slice %arg6[%mul3A_40, %dma_start3A_45] : memref<10240x16xf32, #tpu.memory_space<vmem_shared>> -> memref<640x16xf32, #tpu.memory_space<vmem_shared>>
      tpu.enqueue_dma source(%dma_start3A_46 : memref<640x16xf32, #tpu.memory_space<vmem_shared>>) target(%dma_start3A_44 : memref<640x16xf32, #tpu.memory_space<hbm>>) target_semaphore(%run_scoped3A : memref<!tpu.dma_semaphore, #tpu.memory_space<semaphore_mem>>)
      %dma_wait3A = arith.constant 0 : i32
      %dma_wait3A_47 = tpu.memref_slice %arg3[%arg0, %mul3A_42, %dma_wait3A] : memref<2x10240x16xf32, #tpu.memory_space<hbm>> -> memref<1x640x16xf32, #tpu.memory_space<hbm>>
      %dma_wait3A_48 = tpu.memref_squeeze %dma_wait3A_47 : memref<1x640x16xf32, #tpu.memory_space<hbm>> -> memref<640x16xf32, #tpu.memory_space<hbm>>
      %dma_wait3A_49 = arith.constant 0 : i32
      %dma_wait3A_50 = tpu.memref_slice %arg6[%mul3A_40, %dma_wait3A_49] : memref<10240x16xf32, #tpu.memory_space<vmem_shared>> -> memref<640x16xf32, #tpu.memory_space<vmem_shared>>
      tpu.wait_dma2 semaphore(%run_scoped3A : memref<!tpu.dma_semaphore, #tpu.memory_space<semaphore_mem>>) src(%dma_wait3A_50 : memref<640x16xf32, #tpu.memory_space<vmem_shared>>) dst(%dma_wait3A_48 : memref<640x16xf32, #tpu.memory_space<hbm>>)
      tpu.yield
    }) : () -> ()
    return
  }
}

</mosaic_0001>

<sc_bundles>
// kernel: _deg_sc.3.cloned.1.call-start
scs
__scs_entry_jumppad:
0x0: {  	(pc) =	sbr.rel $0x88, $3  }
0x1: {  	(tag) =	ssettag $0x0;
	lr =	simm.s32 $0x1  }
0x2: {  	[smem:$0x3FA0] =	sst lr;
	_ =	strace $0xD0000000  }
0x3: {  	_ = 	snop  }
0x4: {  	_ = 	snop  }
0x5: {  	_ = 	snop  }
0x6: {  	_ = 	snop  }
0x7: {  	_ = 	snop  }
__scs_overlays_trampoline_lowered:
0x8: {  	[smem:$0x3FAF] =	sst s0  }
0x9: {  	[smem:$0x3FB0] =	sst s1  }
0xa: {  	[smem:$0x3FB1] =	sst s2  }
0xb: {  	[smem:$0x3FB2] =	sst s3  }
0xc: {  	[smem:$0x3FB3] =	sst s4  }
0xd: {  	[smem:$0x3FB4] =	sst s5  }
0xe: {  	[smem:$0x3FB5] =	sst s6  }
0xf: {  	[smem:$0x3FB6] =	sst s7  }
0x10: {  	[smem:$0x3FB7] =	sst s8  }
0x11: {  	[smem:$0x3FB8] =	sst s9;
	s0 =	simm.s32 @!p0 $0x0  }
0x12: {  	s1 =	sld [smem:$0x3F9E];
	s0 =	simm.s32 @p0 $0x1  }
0x13: {  	[smem:$0x3FB9] =	sst s0;
	s0 =	simm.s32 @!p1 $0x0  }
0x14: {  	s2 =	sld [smem:$0x3F9D];
	s0 =	simm.s32 @p1 $0x1  }
0x15: {  	[smem:$0x3FBA] =	sst s0;
	s0 =	simm.s32 @!p2 $0x0  }
0x16: {  	s3 =	sld [smem:$0x3FDB];
	s0 =	simm.s32 @p2 $0x1  }
0x17: {  	s4 =	simm.s32 $0x1BF5;
	[smem:$0x3FBC] =	sst s0  }
0x18: {  	s0 =	sld [smem:$0x3F9F];
	_ =	swait.ge [sflag:s4], $0x0  }
0x19: {  	s7 =	sld [smem:$0x3FA0]  }
0x1a: {  	s8 =	sadd.s32 $0xFFFFE003, lr  }
0x1b: {  	s9 =	sadd.s32 $0xFFFFFEF7, lr;
	s5 =	simm.s32 $0xFFFFFFFF;
	p2 =	slt.u32 s8, $0xFFFFF086  }
0x1c: {  	p1 =	slt.u32 s9, $0xF7A;
	s5 =	simm.s32 @!p2 $0x0  }
0x1d: {  	s5 =	simm.s32 @p1 $0x1;
	p0 =	seq.s32 s7, s2  }
0x1e: {  	s7 =	smul.u32 @!p0 $0xF7A, s2;
	p2 =	seq.s32 @!p0 s5, $0x0  }
0x1f: {  	s9 =	smul.u32 $0xF7A, s1;
	s8 =	simm.s32 @!p0 $0x1BF5;
	p2 =	por !p2, p0  }
0x20: {  	[sflag:s8] =	ssyncset.s32 @!p0 $0xFFFFF086;
	s6 =	sadd.s32 @!p0 s3, s7;
	s7 =	simm.s32 @!p0 $0x108  }
0x21: {  	s3 =	sadd.s32 s3, s9;
	s6 =	sadd.s32 @!p0 $0x88, s6;
	s7 =	simm.s32 @p2 $0x1082  }
0x22: {  	[simem:s7], [sflag:s8] =	dma.local @!p0 [hbm:s6], $0xF7A  }
0x23: {  	s9 =	sor.u32 $0xD0000000, s2;
	s6 =	simm.s32 $0x108;
	_ =	swait.ge @!p0 [sflag:s8], $0x0  }
0x24: {  	s3 =	sadd.s32 $0x88, s3;
	s6 =	simm.s32 @!p1 $0x1082;
	[sflag:s4] =	ssyncset.s32 $0xFFFFF086  }
0x25: {  	[simem:s6], [sflag:s4] =	dma.local [hbm:s3], $0xF7A  }
0x26: {  	[smem:$0x3FA0] =	sst s1;
	(tag) =	ssettag s2;
	_ =	strace s9  }
0x27: {  	s1 =	sld [smem:$0x3FB0]  }
0x28: {  	s2 =	sld [smem:$0x3FB1]  }
0x29: {  	s4 =	sld [smem:$0x3FB3]  }
0x2a: {  	p0 =	seq.s32 s5, $0x0;
	s5 =	sld [smem:$0x3FB4]  }
0x2b: {  	s6 =	sld [smem:$0x3FB5]  }
0x2c: {  	s7 =	sld [smem:$0x3FB6]  }
0x2d: {  	s3 =	simm.s32 $0x108;
	s8 =	sld [smem:$0x3FB7]  }
0x2e: {  	s3 =	simm.s32 @!p0 $0x1082;
	s9 =	sld [smem:$0x3FB8]  }
0x2f: {  	lr =	sadd.s32 s0, s3;
	s0 =	sld [smem:$0x3FAF]  }
0x30: {  	s3 =	sld [smem:$0x3FB2]  }
0x31: {  	[smem:$0x3FBB] =	sst s10  }
0x32: {  	s10 =	sld [smem:$0x3FB9];
	_ =	sdelay $0x3  }
0x33: {  	p0 =	seq.s32 s10, $0x1;
	s10 =	sld [smem:$0x3FBB];
	_ =	sdelay $0x3  }
0x34: {  	[smem:$0x3FBB] =	sst s10  }
0x35: {  	s10 =	sld [smem:$0x3FBA];
	_ =	sdelay $0x3  }
0x36: {  	p1 =	seq.s32 s10, $0x1;
	s10 =	sld [smem:$0x3FBB];
	_ =	sdelay $0x3  }
0x37: {  	[smem:$0x3FBB] =	sst s10  }
0x38: {  	s10 =	sld [smem:$0x3FBC]  }
0x39: {  	_ = 	snop;
	(pc) =	sbr.ind lr, $3  }
0x3a: {  	_ = 	snop  }
0x3b: {  	_ = 	snop  }
0x3c: {  	p2 =	seq.s32 s10, $0x1;
	s10 =	sld [smem:$0x3FBB]  }
0x3d: {  	_ =	shalt  }
0x3e: {  	_ =	shalt  }
0x3f: {  	_ =	shalt  }
0x40: {  	_ =	shalt  }
0x41: {  	_ =	shalt  }
0x42: {  	_ =	shalt  }
0x43: {  	_ =	shalt  }
0x44: {  	_ =	shalt  }
0x45: {  	_ =	shalt  }
0x46: {  	_ =	shalt  }
0x47: {  	_ =	shalt  }
0x48: {  	_ =	shalt  }
0x49: {  	_ =	shalt  }
0x4a: {  	_ =	shalt  }
0x4b: {  	_ =	shalt  }
0x4c: {  	_ =	shalt  }
0x4d: {  	_ =	shalt  }
0x4e: {  	_ =	shalt  }
0x4f: {  	_ =	shalt  }
0x50: {  	_ =	shalt  }
0x51: {  	_ =	shalt  }
0x52: {  	_ =	shalt  }
0x53: {  	_ =	shalt  }
0x54: {  	_ =	shalt  }
0x55: {  	_ =	shalt  }
0x56: {  	_ =	shalt  }
0x57: {  	_ =	shalt  }
0x58: {  	_ =	shalt  }
0x59: {  	_ =	shalt  }
0x5a: {  	_ =	shalt  }
0x5b: {  	_ =	shalt  }
0x5c: {  	_ =	shalt  }
0x5d: {  	_ =	shalt  }
0x5e: {  	_ =	shalt  }
0x5f: {  	_ =	shalt  }
0x60: {  	_ =	shalt  }
0x61: {  	_ =	shalt  }
0x62: {  	_ =	shalt  }
0x63: {  	_ =	shalt  }
0x64: {  	_ =	shalt  }
0x65: {  	_ =	shalt  }
0x66: {  	_ =	shalt  }
0x67: {  	_ =	shalt  }
0x68: {  	_ =	shalt  }
0x69: {  	_ =	shalt  }
0x6a: {  	_ =	shalt  }
0x6b: {  	_ =	shalt  }
0x6c: {  	_ =	shalt  }
0x6d: {  	_ =	shalt  }
0x6e: {  	_ =	shalt  }
0x6f: {  	_ =	shalt  }
0x70: {  	_ =	shalt  }
0x71: {  	_ =	shalt  }
0x72: {  	_ =	shalt  }
0x73: {  	_ =	shalt  }
0x74: {  	_ =	shalt  }
0x75: {  	_ =	shalt  }
0x76: {  	_ =	shalt  }
0x77: {  	_ =	shalt  }
0x78: {  	_ =	shalt  }
0x79: {  	_ =	shalt  }
0x7a: {  	_ =	shalt  }
0x7b: {  	_ =	shalt  }
0x7c: {  	_ =	shalt  }
0x7d: {  	_ =	shalt  }
0x7e: {  	_ =	shalt  }
0x7f: {  	_ =	shalt  }
0x80: {  	_ =	shalt  }
0x81: {  	_ =	shalt  }
0x82: {  	_ =	shalt  }
0x83: {  	_ =	shalt  }
0x84: {  	_ =	shalt  }
0x85: {  	_ =	shalt  }
0x86: {  	_ =	shalt  }
0x87: {  	_ =	shalt  }
.Lfunc_end0:
.L_simem_size_0:
called_computation_lowered:
.L_overlay_start_0:
0x88: {  	s2 =	sld [smem:$0x3FD9]  }
0x89: {  	s3 =	sld [smem:$0x3FFE];
	_ =	sdelay $0x1  }
0x8a: {  	s1 =	srdreg.scid  }
0x8b: {  	s0 =	sand.u32 $0x1, s1  }
0x8c: {  	s18 =	sshll.u32 s0, $0xA;
	s2 =	sadd.s32 s3, s2  }
0x8d: {  	s2 =	sadd.s32 s2, s18  }
0x8e: {  	[smem:$0x3FC7] =	sst s2  }
0x8f: {  	_ = 	snop  }
0x90: {  	s2 =	sld [smem:$0x3FC9]  }
0x91: {  	s19 =	sld [smem:$0x3FD0];
	(tm) =	ssettm $0x1  }
0x92: {  	s4 =	sld [smem:$0x3FFB];
	_ =	sdelay $0x3  }
0x93: {  	_ =	strace s4  }
0x94: {  	s4 =	sld [smem:$0x3FFC];
	_ =	sdelay $0x3  }
0x95: {  	_ =	strace s4  }
0x96: {  	s4 =	sld [smem:$0x3FFD];
	_ =	sdelay $0x3  }
0x97: {  	_ =	strace s4  }
0x98: {  	_ =	strace $0x8FFFFFFF  }
0x99: {  	s20 =	sld [smem:$0x3FDB];
	_ =	sdelay $0x1  }
0x9a: {  	s5 =	simm.s32 $_scs_section_size  }
0x9b: {  	s6 =	simm.s32 $_size__tile_overlayer_lowered;
	s7 =	simm.s32 $_tile_overlayer_lowered  }
0x9c: {  	s23 =	simm.s32 $0x1BFF;
	s22 =	sshll.u32 s7, $0x1;
	s4 =	sadd.s32 s5, s20  }
0x9d: {  	s8 =	simm.s32 $0x0;
	s21 =	sshll.u32 s6, $0x1;
	s6 =	sadd.s32 s22, s4  }
0x9e: {  	[timem:s8], [sflag:s23] =	dma.local [hbm:s6], s21  }
0x9f: {  	_ =	swait.ge [sflag:s23], s21  }
0xa0: {  	s5 =	ssub.s32 $0x0, s21;
	[sflag:s23] =	ssyncset.done $0x0  }
0xa1: {  	[sflag:s23] =	ssyncadd.s32 s5;
	_ =	sdelay $0x1  }
0xa2: {  	s24 =	simm.s32 $0x1B8B  }
0xa3: {  	_ =	swait.ge [sflag:s24], $0x1  }
0xa4: {  	[sflag:s24] =	ssyncset.done $0x0  }
0xa5: {  	s25 =	simm.s32 $0x1B8E;
	[sflag:s24] =	ssyncadd.s32 $0xFFFFFFFF  }
0xa6: {  	s26 =	simm.s32 $execute0_lowered;
	[smem:$0x3FD2] =	sst s25  }
0xa7: {  	s5 =	sshll.u32 s26, $0x1;
	_ =	strace $0x80000046;
	[dreg:$0x1] =	wrdreg $0xFFFFFFFF  }
0xa8: {  	s28 =	simm.s32 $_size_execute0_lowered;
	s4 =	sadd.s32 s4, s5;
	[dreg:$0x0] =	wrdreg $0x0  }
0xa9: {  	s5 =	sshll.u32 s28, $0x1;
	[dreg:$0x2] =	wrdreg s4  }
0xaa: {  	[dreg:$0x3] =	wrdreg s5  }
0xab: {  	[dreg:$0x4] =	wrdreg $0xC0  }
0xac: {  	_ =	task [dreg:s8], $0x5FFFF  }
0xad: {  	[dreg:$0x1] =	wrdreg $0xFFFFFFFF  }
0xae: {  	[dreg:$0x0] =	wrdreg $0x60  }
0xaf: {  	[dreg:$0x2] =	wrdreg s2  }
0xb0: {  	[dreg:$0x3] =	wrdreg s19  }
0xb1: {  	[dreg:$0x4] =	wrdreg $0x30000  }
0xb2: {  	[dreg:$0x5] =	wrdreg $0x9  }
0xb3: {  	_ =	task.clear_ibuf [dreg:s8], $0x6FFFF;
	_ =	strace $0x90000046  }
0xb4: {  	s29 =	simm.s32 $0x9;
	_ =	strace $0x80000048  }
0xb5: {  	_ =	swait.ge [sflag:s29], $0x1  }
0xb6: {  	[sflag:s29] =	ssyncadd.s32 $0xFFFFFFFF  }
0xb7: {  	_ =	strace $0x90000048  }
0xb8: {  	_ =	sfence  }
0xb9: {  	s30 =	sld [smem:$0x0];
	_ =	sdelay $0x2  }
0xba: {  	s31 =	sshll.u32 s1, $0xD;
	s1 =	sshrl.u32 s1, $0x2  }
0xbb: {  	s3 =	sand.u32 $0x4000, s31;
	s1 =	sadd.s32 s1, s30  }
0xbc: {  	s0 =	sor.u32 s3, s0;
	s1 =	sshll.u32 s1, $0x11  }
0xbd: {  	s0 =	sor.u32 s1, s0  }
0xbe: {  	s0 =	sadd.s32 $0x8F2B, s0  }
0xbf: {  	[sflag:s0] =	ssyncadd.remote.s32 $0x1  }
0xc0: {  	_ =	sfence.sel $0xFFFF  }
0xc1: {  	[dreg:$0x0] =	wrdreg $0xFFFFFFFF;
	(pc) =	sbr.abs _section_cstart, $3  }
0xc2: {  	[dreg:$0x1] =	wrdreg $0xFFFFFFFF  }
0xc3: {  	_ =	task.clear_ibuf [dreg:s8], $0x2FFFF;
	_ =	strace $0x9FFFFFFF  }
0xc4: {  	(tm) =	ssettm $0x7FFFFFFF  }
0xc5: {  	_ =	shalt  }
tec
execute0_lowered:
.L_overlay_start_1:
0x0: {  	(tag) =	ssettag $0x1  }
0x1: {  	s9 =	rddreg [dreg:$0x0]  }
0x2: {  	s10 =	rddreg [dreg:$0x1]  }
0x3: {  	s2 =	rddreg [dreg:$0x2]  }
0x4: {  	s0 =	rddreg [dreg:$0x3]  }
0x5: {  	s4 =	srdreg.scid;
	s3 =	simm.s32 $0x0;
	s1 =	stileid.u32  }
0x6: {  	s14 =	simm.s32 $0x80;
	s4 =	sand.u32 $0x1, s4;
	s6 =	smul.u32 $0xA000, s1  }
0x7: {  	[smem:$0x7FF] =	sst s3;
	s29 =	smul.u32 $0x2800, s1;
	s15 =	sshll.u32 s1, $0x6  }
0x8: {  	s5 =	ssub.s32 $0x2, s4;
	_ =	strace $0x80000047;
	s31 =	sshll.u32 s4, $0x4  }
0x9: {  	s12 =	smul.u32 $0x28000, s4;
	s15 =	sor.u32 $0x1C01, s15;
	s7 =	sshrl.u32 s5, $0x1  }
0xa: {  	s30 =	sshrl.u32 s6, $0x2;
	s13 =	sor.u32 s1, s31;
	s4 =	sadd.s32 s29, s2  }
0xb: {  	s11 =	ssub.s32 s5, s7;
	s8 =	sadd.s32 s30, s2;
	s13 =	smul.u32 $0x500, s13  }
0xc: {  	s12 =	sadd.s32 s29, s12;
	s16 =	sshrl.u32 s4, $0x3;
	s5 =	sadd.s32 $0x800, s8  }
0xd: {  	s6 =	sadd.s32 $0x1000, s8;
	s7 =	sadd.s32 $0x1800, s8;
	s8 =	sadd.s32 $0x2000, s8  }
0xe: {  	s12 =	sshrl.u32 s12, $0x3;
	s11 =	smax.u32 s11, $0x1;
	s9 =	sadd.s32 s9, s13  }
0xf: {  	v0 =	vimm.f32 $0.0e+00;
	v1 =	vimm.f32 $1.000000000e+00;
	s10 =	sadd.s32 s10, s12;
	s12 =	simm.s32 $0x2800;
	s13 =	simm.s32 $0x1  }
.LBB2_1:
0x10: {  	s17 =	simm.s32 $0x40;
	s18 =	simm.s32 $0x0  }
.LBB2_2:
0x11: {  	p0 =	sne.s32 s17, $0x1FC0;
	[tilespmem:s18+$0x2800] =	vst v0;
	s18 =	smov.u32 s17;
	s17 =	sadd.s32 $0x40, s17  }
.Ltmp0:
0x12: {  	(pc) =	sbr.rel @p0 .LBB2_2-.Ltmp0, $2  }
0x13: {  	_ =	sdelay $0x2  }
0x14: {  	s18 =	sshra.s32 s18, $0x2  }
0x15: {  	[tilespmem:s18+$0x2800] =	vst v0  }
0x16: {  	[spmem:s4] =	stream.linear.scatter [tilespmem:s12], [sflag:$0x1], $0x800, $0x38;
	[tilespmem:$0x5800] =	vst v63  }
0x17: {  	_ =	swait.ge [sflag:s13], $0x800  }
0x18: {  	[sflag:s13] =	ssyncset.done $0x0  }
0x19: {  	[sflag:s13] =	ssyncadd.s32 $0xFFFFF800  }
0x1a: {  	[spmem:s5] =	stream.linear.scatter [tilespmem:s12], [sflag:$0x1], $0x800, $0x38;
	[tilespmem:$0x5800] =	vst v63  }
0x1b: {  	_ =	swait.ge [sflag:s13], $0x800  }
0x1c: {  	[sflag:s13] =	ssyncset.done $0x0  }
0x1d: {  	[sflag:s13] =	ssyncadd.s32 $0xFFFFF800  }
0x1e: {  	[spmem:s6] =	stream.linear.scatter [tilespmem:s12], [sflag:$0x1], $0x800, $0x38;
	[tilespmem:$0x5800] =	vst v63  }
0x1f: {  	_ =	swait.ge [sflag:s13], $0x800  }
0x20: {  	[sflag:s13] =	ssyncset.done $0x0  }
0x21: {  	[sflag:s13] =	ssyncadd.s32 $0xFFFFF800  }
0x22: {  	[spmem:s7] =	stream.linear.scatter [tilespmem:s12], [sflag:$0x1], $0x800, $0x38;
	[tilespmem:$0x5800] =	vst v63  }
0x23: {  	_ =	swait.ge [sflag:s13], $0x800  }
0x24: {  	[sflag:s13] =	ssyncset.done $0x0  }
0x25: {  	[sflag:s13] =	ssyncadd.s32 $0xFFFFF800  }
0x26: {  	[spmem:s8] =	stream.linear.scatter [tilespmem:s12], [sflag:$0x1], $0x800, $0x38;
	[tilespmem:$0x5800] =	vst v63  }
0x27: {  	_ =	swait.ge [sflag:s13], $0x800  }
0x28: {  	[sflag:s13] =	ssyncset.done $0x0  }
0x29: {  	s17 =	simm.s32 $0x40;
	s18 =	simm.s32 $0x0;
	[sflag:s13] =	ssyncadd.s32 $0xFFFFF800  }
.LBB2_4:
0x2a: {  	p0 =	sne.s32 s17, $0x1FC0;
	[tilespmem:s18+$0x2800] =	vst v1;
	s18 =	smov.u32 s17;
	s17 =	sadd.s32 $0x40, s17  }
.Ltmp1:
0x2b: {  	(pc) =	sbr.rel @p0 .LBB2_4-.Ltmp1, $2  }
0x2c: {  	_ =	sdelay $0x2  }
0x2d: {  	s18 =	sshra.s32 s18, $0x2  }
0x2e: {  	[tilespmem:s18+$0x2800] =	vst v1;
	s17 =	simm.s32 $0x0  }
0x2f: {  	[tilespmem:s17], [sflag:$0x1] =	stream.linear.gather [hbm4b:s9+s17], $0x2800, $0x38;
	[tilespmem:$0x5800] =	vst v63  }
0x30: {  	_ =	swait.ge [sflag:s13], $0x2800  }
0x31: {  	[sflag:s13] =	ssyncset.done $0x0  }
0x32: {  	[sflag:s13] =	ssyncadd.s32 $0xFFFFD800  }
0x33: {  	s31 =	simm.s32 $0x0;
	[bflag:$0x0] =	sbarrier.arrive $0xFFFF  }
0x34: {  	[spmem:s2] =	stream.indirect.scatter.add.f32 [tilespmem:s12], [sflag:$0x1], $0x10, s31, s14, $0xb8;
	[tilespmem:$0x5800] =	vst v63  }
0x35: {  	_ =	swait.ge [sflag:s13], $0x800  }
0x36: {  	s17 =	simm.s32 $0x200;
	[sflag:s13] =	ssyncset.done $0x0  }
.LBB2_6:
0x37: {  	s18 =	sshra.s32 s17, $0x2;
	[sflag:s13] =	ssyncadd.s32 $0xFFFFF800;
	p0 =	sne.s32 s17, $0x9E00  }
0x38: {  	[spmem:s2] =	stream.indirect.scatter.add.f32 [tilespmem:s12], [sflag:$0x1], $0x10, s18, s14, $0xb8;
	[tilespmem:$0x5800] =	vst v63  }
.Ltmp2:
0x39: {  	_ = 	snop;
	(pc) =	sbr.rel @p0 .LBB2_6-.Ltmp2, $4  }
0x3a: {  	_ = 	snop  }
0x3b: {  	s17 =	sadd.s32 $0x200, s17  }
0x3c: {  	_ =	swait.ge [sflag:s13], $0x800  }
0x3d: {  	[sflag:s13] =	ssyncset.done $0x0  }
0x3e: {  	s3 =	sadd.s32 $0x1, s3  }
0x3f: {  	[sflag:s13] =	ssyncadd.s32 $0xFFFFF800;
	p0 =	sne.s32 s3, s11  }
.Ltmp3:
0x40: {  	[bflag:$0x0] =	sbarrier.arrive $0xFFFF;
	(pc) =	sbr.rel @p0 .LBB2_1-.Ltmp3, $4  }
0x41: {  	[hbm:s10], [sflag:s15] =	dma.local [spmem:s16], $0x500  }
0x42: {  	_ =	swait.ge [sflag:s13], $0x500  }
0x43: {  	[sflag:s13] =	ssyncset.done $0x0  }
0x44: {  	[sflag:s13] =	ssyncadd.s32 $0xFFFFFB00  }
0x45: {  	_ =	sfence.sel $0x180000  }
0x46: {  	[bflag:$0x0] =	sbarrier.arrive $0xFFFF  }
0x47: {  	p0 =	sne.s32 s1, $0x0;
	_ =	strace $0x90000047  }
0x48: {  	s0 =	sadd.s32 @!p0 $0x100000, s0;
	[bflag:$0x2] =	sbarrier.arrive $0xFFFF  }
0x49: {  	[sflag:s0] =	ssyncadd.tile.s32 @!p0 $0x1;
	_ =	shalt  }
.Lfunc_end2:
_tile_overlayer_lowered:
.L_overlay_start_2:
0x4a: {  	(tag) =	ssettag $0x2  }
0x4b: {  	s0 =	rddreg [dreg:$0x0];
	s2 =	stileid.u32  }
0x4c: {  	s1 =	rddreg [dreg:$0x1];
	p0 =	sne.s32 s2, $0x0  }
0x4d: {  	s3 =	rddreg [dreg:$0x2];
	[bflag:$0x3] =	sbarrier.arrive $0xFFFF;
	s2 =	simm.s32 @!p0 $0x1C01  }
0x4e: {  	[timem:s3], [sflag:s2] =	dma.local @!p0 [hbm:s0], s1  }
0x4f: {  	s0 =	simm.s32 @!p0 $0x1  }
0x50: {  	_ =	swait.ge @!p0 [sflag:s0], s1  }
0x51: {  	s1 =	ssub.s32 @!p0 $0x0, s1;
	[sflag:s0] =	ssyncset.done @!p0 $0x0  }
0x52: {  	[sflag:s0] =	ssyncadd.s32 @!p0 s1  }
0x53: {  	[bflag:$0x3] =	sbarrier.arrive $0xFFFF  }
0x54: {  	_ =	shalt  }

</sc_bundles>
